<compile_context>
chip_gen: v7x
topology: tpu7x:2x2x1
jax: 0.10.2.dev20260603
libtpu: 0.0.44.dev20260713+nightly
codegen_flags: <defaults>
</compile_context>

<pallas_src>
import functools

import jax
import jax.numpy as jnp
from jax import lax
from jax.experimental import pallas as pl
from jax.experimental.pallas import tpu as pltpu
from jax.experimental.pallas import tpu_sc as plsc

_NUM_BATCH = 16
_NUM_CHAIN = 128
_NSEG = _NUM_BATCH + _NUM_CHAIN
_NPAIR = _NUM_BATCH * _NUM_CHAIN


def _pick_block(n):
    for r in (3200, 6400, 1600, 800, 400, 320, 160, 80, 40, 16, 8):
        if n % r == 0:
            return r
    return n


def _onehot_bf16(b, c, r):
    seg_iota = lax.broadcasted_iota(jnp.int32, (r, _NSEG), 1)
    return ((b[:, None] == seg_iota).astype(jnp.bfloat16)
            + (c[:, None] == (seg_iota - _NUM_BATCH)).astype(jnp.bfloat16))


def _reduce_body(local_ref, batch_ref, chain_ref, mask_ref, sc_ref):
    @pl.when(pl.program_id(0) == 0)
    def _init():
        sc_ref[...] = jnp.zeros_like(sc_ref)

    x = local_ref[...]
    b = batch_ref[0, 0, :]
    c = chain_ref[0, 0, :]
    m = mask_ref[0, 0, :]
    r, d = x.shape
    onehot = _onehot_bf16(b, c, r) * m[:, None].astype(jnp.bfloat16)
    aug = jnp.concatenate(
        [x.astype(jnp.bfloat16), jnp.ones((r, d), jnp.bfloat16)], axis=1)
    sc_ref[...] += lax.dot_general(
        onehot, aug, (((0,), (0,)), ((), ())),
        preferred_element_type=jnp.float32)


def _middle_body(sc_ref, w1_ref, b1_ref, w2_ref, b2_ref, t_ref):
    d = t_ref.shape[1]
    s = sc_ref[:, :d]
    cnt = sc_ref[:, d:]
    mean = s / jnp.maximum(cnt, 1e-6)
    u = lax.dot_general(
        mean, w1_ref[...], (((1,), (0,)), ((), ())),
        preferred_element_type=jnp.float32,
        precision=lax.Precision.HIGHEST) + b1_ref[0, :]
    g = jax.nn.gelu(u)
    a = lax.dot_general(
        g[:_NUM_BATCH], w2_ref[: u.shape[1]],
        (((1,), (0,)), ((), ())),
        preferred_element_type=jnp.float32,
        precision=lax.Precision.HIGHEST)
    bb = lax.dot_general(
        g[_NUM_BATCH:], w2_ref[u.shape[1]:],
        (((1,), (0,)), ((), ())),
        preferred_element_type=jnp.float32,
        precision=lax.Precision.HIGHEST)
    pair = (a + b2_ref[0, :])[:, None, :] + bb[None, :, :]
    t_ref[...] = pair.reshape(_NPAIR, d)


_CHUNK = 80
_GSUB = 80


def _sc_broadcast(n, d):
    info = plsc.get_sparse_core_info()
    nw = info.num_cores * info.num_subcores
    rows_w = n // nw
    assert n % nw == 0 and rows_w % _CHUNK == 0
    nchunk = rows_w // _CHUNK
    mesh = plsc.VectorSubcoreMesh(core_axis_name="c", subcore_axis_name="s")

    @functools.partial(
        pl.kernel, mesh=mesh,
        out_type=jax.ShapeDtypeStruct((n, d), jnp.float32),
        scratch_types=[
            pltpu.VMEM((rows_w,), jnp.int32),
            pltpu.VMEM((rows_w,), jnp.int32),
            pltpu.VMEM((_CHUNK // _GSUB, _GSUB), jnp.int32),
            pltpu.VMEM((_CHUNK, d), jnp.float32),
            pltpu.SemaphoreType.DMA,
            pltpu.SemaphoreType.DMA,
        ],
    )
    def k(batch_hbm, chain_hbm, t_hbm, out_hbm, b_v, c_v, p_v, rows_v,
          sem_g, sem_w):
        wid = lax.axis_index("s") * info.num_cores + lax.axis_index("c")
        base = wid * rows_w
        pltpu.sync_copy(batch_hbm.at[pl.ds(base, rows_w)], b_v)
        pltpu.sync_copy(chain_hbm.at[pl.ds(base, rows_w)], c_v)

        def wait_one_write(j, _):
            pltpu.make_async_copy(
                rows_v, out_hbm.at[pl.ds(base, _CHUNK)], sem_w).wait()
            return _

        def chunk_body(i, carry):
            cur_pair, pending = carry
            off = i * _CHUNK
            va_b = b_v[pl.ds(off, 16)]
            vz_b = b_v[pl.ds(off + _CHUNK - 16, 16)]
            va_c = c_v[pl.ds(off, 16)]
            vz_c = c_v[pl.ds(off + _CHUNK - 16, 16)]
            b0, bz = va_b[0], vz_b[15]
            c0, cz = va_c[0], vz_c[15]
            uniform = (b0 == bz) & (c0 == cz)
            pair_now = b0 * _NUM_CHAIN + c0
            reuse = uniform & (pair_now == cur_pair)

            def do_reuse():
                return pending

            def do_gather():
                lax.fori_loop(0, pending, wait_one_write, None)
                for g in range(_CHUNK // _GSUB):
                    for j in range(_GSUB // 16):
                        sl = pl.ds(off + g * _GSUB + j * 16, 16)
                        p_v[g, pl.ds(j * 16, 16)] = (
                            b_v[sl] * _NUM_CHAIN + c_v[sl])
                    pltpu.async_copy(
                        t_hbm.at[p_v.at[g]],
                        rows_v.at[pl.ds(g * _GSUB, _GSUB)], sem_g)
                for g in range(_CHUNK // _GSUB):
                    pltpu.make_async_copy(
                        t_hbm.at[p_v.at[g]],
                        rows_v.at[pl.ds(g * _GSUB, _GSUB)], sem_g).wait()
                return jnp.int32(0)

            pending2 = lax.cond(reuse, do_reuse, do_gather)
            pltpu.async_copy(
                rows_v, out_hbm.at[pl.ds(base + off, _CHUNK)], sem_w)
            ui = uniform.astype(jnp.int32)
            new_pair = ui * pair_now + (1 - ui) * jnp.int32(-1)
            return new_pair, pending2 + 1

        _, pending = lax.fori_loop(
            0, nchunk, chunk_body, (jnp.int32(-1), jnp.int32(0)))
        lax.fori_loop(0, pending, wait_one_write, None)

    return k


@jax.jit
def kernel(local, chain, batch, mask, W1, b1, W2, b2):
    n, d = local.shape
    r = _pick_block(n)
    gb = n // r
    batch_i = batch.astype(jnp.int32)
    chain_i = chain.astype(jnp.int32)
    batch3 = batch_i.reshape(gb, 1, r)
    chain3 = chain_i.reshape(gb, 1, r)
    mask3 = mask.astype(jnp.float32).reshape(gb, 1, r)

    sc = pl.pallas_call(
        _reduce_body,
        grid=(gb,),
        in_specs=[
            pl.BlockSpec((r, d), lambda i: (i, 0)),
            pl.BlockSpec((1, 1, r), lambda i: (i, 0, 0)),
            pl.BlockSpec((1, 1, r), lambda i: (i, 0, 0)),
            pl.BlockSpec((1, 1, r), lambda i: (i, 0, 0)),
        ],
        out_specs=pl.BlockSpec((_NSEG, 2 * d), lambda i: (0, 0)),
        out_shape=jax.ShapeDtypeStruct((_NSEG, 2 * d), jnp.float32),
    )(local, batch3, chain3, mask3)

    t = pl.pallas_call(
        _middle_body,
        out_shape=jax.ShapeDtypeStruct((_NPAIR, d), jnp.float32),
    )(sc, W1, b1.reshape(1, -1), W2, b2.reshape(1, -1))

    out = _sc_broadcast(n, d)(batch_i, chain_i, t)
    return out

# --- scband reference (transcript-rebuilt; emitter-appended) ---
"""Pipeline reference for scband-global-update-3685081940037 (READ-ONLY COPY).

The authoritative reference and input builder live on the scoring server;
editing this copy changes nothing except your own understanding.
"""

import jax, jax.numpy as jnp
import numpy as np

N = 320000
D = 128
NUM_BATCH = 16
NUM_CHAIN = 128


def index_mean(x, idx, mask, num_segments):
    # masked segment mean, broadcast back to each element (gather at idx)
    num = jax.ops.segment_sum(x * mask, idx, num_segments=num_segments)
    den = jax.ops.segment_sum(mask * jnp.ones_like(x), idx, num_segments=num_segments)
    mean = num / jnp.maximum(den, 1e-6)
    return mean[idx]


def setup_inputs(seed: int = 0) -> dict:
    key = jax.random.key(seed)
    k1, k2, k3, k4, k5 = jax.random.split(key, 5)
    local = jax.random.normal(k1, (N, D), dtype=jnp.float32)
    batch = jnp.sort(jax.random.randint(k2, (N,), 0, NUM_BATCH).astype(jnp.int64))
    chain = jnp.sort(jax.random.randint(k3, (N,), 0, NUM_CHAIN).astype(jnp.int64))
    mask = jnp.ones((N,), dtype=jnp.float32)
    # Linear(local_dim*2, initializer='relu') params (he-normal style)
    W1 = jax.random.normal(k4, (D, 2 * D), dtype=jnp.float32) * np.sqrt(2.0 / D)
    b1 = jnp.zeros((2 * D,), dtype=jnp.float32)
    # final Linear(local_dim) -- original uses 'zeros' init; use small random so outputs/grads are non-degenerate
    W2 = jax.random.normal(k5, (4 * D, D), dtype=jnp.float32) * 0.02
    b2 = jnp.zeros((D,), dtype=jnp.float32)
    return {"local": local, "chain": chain, "batch": batch, "mask": mask,
            "W1": W1, "b1": b1, "W2": W2, "b2": b2}


def reference(local, chain, batch, mask, W1, b1, W2, b2):
    local_update = local @ W1 + b1                      # [N, 2D]
    m = mask[..., None]                                  # [N, 1]
    local_batch = jax.nn.gelu(index_mean(local_update, batch, m, NUM_BATCH))
    local_chain = jax.nn.gelu(index_mean(local_update, chain, m, NUM_CHAIN))
    result = jnp.concatenate((local_batch, local_chain), axis=-1) @ W2 + b2  # [N, D]
    return result

if __name__ == "__main__":
    import jax
    _d = setup_inputs()
    print(jax.jit(kernel)(*tuple(_d.values())))

</pallas_src>

<mosaic_0001>
#map = affine_map<(d0, d1) -> (0)>
#map1 = affine_map<(d0, d1) -> (0, 0)>
module attributes {stable_mosaic.version = 14 : i64} {
  func.func @k(%arg0: i32, %arg1: i32, %arg2: memref<320000xi32, #tpu.memory_space<hbm>>, %arg3: memref<320000xi32, #tpu.memory_space<hbm>>, %arg4: memref<2048x128xf32, #tpu.memory_space<hbm>>, %arg5: memref<320000x128xf32, #tpu.memory_space<hbm>>, %arg6: memref<10000xi32, #tpu.memory_space<vmem>>, %arg7: memref<10000xi32, #tpu.memory_space<vmem>>, %arg8: memref<1x80xi32, #tpu.memory_space<vmem>>, %arg9: memref<80x128xf32, #tpu.memory_space<vmem>>, %arg10: memref<!tpu.dma_semaphore, #tpu.memory_space<semaphore_mem>>, %arg11: memref<!tpu.dma_semaphore, #tpu.memory_space<semaphore_mem>>) attributes {dimension_semantics = [#tpu.dimension_semantics<core_parallel>, #tpu.dimension_semantics<subcore_parallel>], iteration_bounds = array<i64: 2, 16>, scalar_prefetch = 0 : i64, scratch_operands = 6 : i64, tpu.core_type = #tpu.core_type<sc_vector_subcore>, window_params = [{transform_indices = #map}, {transform_indices = #map}, {transform_indices = #map1}, {transform_indices = #map1}]} {
    %mul3A = arith.constant 2 : i32
    %mul3A_0 = arith.muli %arg1, %mul3A : i32
    %add3A = arith.addi %mul3A_0, %arg0 : i32
    %mul3A_1 = arith.constant 10000 : i32
    %mul3A_2 = arith.muli %add3A, %mul3A_1 : i32
    "tpu.region"() ({
      %run_scoped3A = tpu.sem_alloc : memref<!tpu.dma_semaphore, #tpu.memory_space<semaphore_mem>>
      %dma_start3A = tpu.memref_slice %arg2[%mul3A_2] : memref<320000xi32, #tpu.memory_space<hbm>> -> memref<10000xi32, #tpu.memory_space<hbm>>
      %dma_start3A_18 = tpu.memref_slice %arg2[%mul3A_2] : memref<320000xi32, #tpu.memory_space<hbm>> -> memref<10000xi32, #tpu.memory_space<hbm>>
      tpu.enqueue_dma source(%dma_start3A_18 : memref<10000xi32, #tpu.memory_space<hbm>>) target(%arg6 : memref<10000xi32, #tpu.memory_space<vmem>>) target_semaphore(%run_scoped3A : memref<!tpu.dma_semaphore, #tpu.memory_space<semaphore_mem>>)
      %dma_wait3A = tpu.memref_slice %arg2[%mul3A_2] : memref<320000xi32, #tpu.memory_space<hbm>> -> memref<10000xi32, #tpu.memory_space<hbm>>
      %dma_wait3A_19 = tpu.memref_slice %arg2[%mul3A_2] : memref<320000xi32, #tpu.memory_space<hbm>> -> memref<10000xi32, #tpu.memory_space<hbm>>
      tpu.wait_dma2 semaphore(%run_scoped3A : memref<!tpu.dma_semaphore, #tpu.memory_space<semaphore_mem>>) src(%dma_wait3A_19 : memref<10000xi32, #tpu.memory_space<hbm>>) dst(%arg6 : memref<10000xi32, #tpu.memory_space<vmem>>)
      tpu.yield
    }) : () -> ()
    "tpu.region"() ({
      %run_scoped3A = tpu.sem_alloc : memref<!tpu.dma_semaphore, #tpu.memory_space<semaphore_mem>>
      %dma_start3A = tpu.memref_slice %arg3[%mul3A_2] : memref<320000xi32, #tpu.memory_space<hbm>> -> memref<10000xi32, #tpu.memory_space<hbm>>
      %dma_start3A_18 = tpu.memref_slice %arg3[%mul3A_2] : memref<320000xi32, #tpu.memory_space<hbm>> -> memref<10000xi32, #tpu.memory_space<hbm>>
      tpu.enqueue_dma source(%dma_start3A_18 : memref<10000xi32, #tpu.memory_space<hbm>>) target(%arg7 : memref<10000xi32, #tpu.memory_space<vmem>>) target_semaphore(%run_scoped3A : memref<!tpu.dma_semaphore, #tpu.memory_space<semaphore_mem>>)
      %dma_wait3A = tpu.memref_slice %arg3[%mul3A_2] : memref<320000xi32, #tpu.memory_space<hbm>> -> memref<10000xi32, #tpu.memory_space<hbm>>
      %dma_wait3A_19 = tpu.memref_slice %arg3[%mul3A_2] : memref<320000xi32, #tpu.memory_space<hbm>> -> memref<10000xi32, #tpu.memory_space<hbm>>
      tpu.wait_dma2 semaphore(%run_scoped3A : memref<!tpu.dma_semaphore, #tpu.memory_space<semaphore_mem>>) src(%dma_wait3A_19 : memref<10000xi32, #tpu.memory_space<hbm>>) dst(%arg7 : memref<10000xi32, #tpu.memory_space<vmem>>)
      tpu.yield
    }) : () -> ()
    %scan3A = arith.constant -1 : i32
    %scan3A_3 = arith.constant 0 : i32
    %scan3A_4 = arith.constant 0 : i32
    %scan3A_5 = arith.constant 125 : i32
    %scan3A_6 = arith.addi %scan3A_4, %scan3A_5 : i32
    %scan3A_7 = arith.constant 1 : i32
    %scan3A_8:2 = scf.for %scan3A_18 = %scan3A_4 to %scan3A_6 step %scan3A_7 iter_args(%scan3A_19 = %scan3A, %scan3A_20 = %scan3A_3) -> (i32, i32)  : i32 {
      %mul3A_21 = arith.constant 80 : i32
      %mul3A_22 = arith.muli %scan3A_18, %mul3A_21 : i32
      %get3A = arith.index_cast %mul3A_22 : i32 to index
      %get3A_23 = tpu.vector_load %arg6[%get3A] {strides = array<i32>} : memref<10000xi32, #tpu.memory_space<vmem>>, vector<16xi32>,
      %get3A_24 = vector.shape_cast %get3A_23 : vector<16xi32> to vector<16xi32>
      %add3A_25 = arith.constant 80 : i32
      %add3A_26 = arith.addi %mul3A_22, %add3A_25 : i32
      %sub3A = arith.constant 16 : i32
      %sub3A_27 = arith.subi %add3A_26, %sub3A : i32
      %get3A_28 = arith.index_cast %sub3A_27 : i32 to index
      %get3A_29 = tpu.vector_load %arg6[%get3A_28] {strides = array<i32>} : memref<10000xi32, #tpu.memory_space<vmem>>, vector<16xi32>,
      %get3A_30 = vector.shape_cast %get3A_29 : vector<16xi32> to vector<16xi32>
      %get3A_31 = arith.index_cast %mul3A_22 : i32 to index
      %get3A_32 = tpu.vector_load %arg7[%get3A_31] {strides = array<i32>} : memref<10000xi32, #tpu.memory_space<vmem>>, vector<16xi32>,
      %get3A_33 = vector.shape_cast %get3A_32 : vector<16xi32> to vector<16xi32>
      %add3A_34 = arith.constant 80 : i32
      %add3A_35 = arith.addi %mul3A_22, %add3A_34 : i32
      %sub3A_36 = arith.constant 16 : i32
      %sub3A_37 = arith.subi %add3A_35, %sub3A_36 : i32
      %get3A_38 = arith.index_cast %sub3A_37 : i32 to index
      %get3A_39 = tpu.vector_load %arg7[%get3A_38] {strides = array<i32>} : memref<10000xi32, #tpu.memory_space<vmem>>, vector<16xi32>,
      %get3A_40 = vector.shape_cast %get3A_39 : vector<16xi32> to vector<16xi32>
      %slice3A = vector.extract_strided_slice %get3A_24 {offsets = [0], sizes = [1], strides = [1]} : vector<16xi32> to vector<1xi32>
      %squeeze3A = vector.extract %slice3A[0] : i32 from vector<1xi32>
      %slice3A_41 = vector.extract_strided_slice %get3A_30 {offsets = [15], sizes = [1], strides = [1]} : vector<16xi32> to vector<1xi32>
      %squeeze3A_42 = vector.extract %slice3A_41[0] : i32 from vector<1xi32>
      %slice3A_43 = vector.extract_strided_slice %get3A_33 {offsets = [0], sizes = [1], strides = [1]} : vector<16xi32> to vector<1xi32>
      %squeeze3A_44 = vector.extract %slice3A_43[0] : i32 from vector<1xi32>
      %slice3A_45 = vector.extract_strided_slice %get3A_40 {offsets = [15], sizes = [1], strides = [1]} : vector<16xi32> to vector<1xi32>
      %squeeze3A_46 = vector.extract %slice3A_45[0] : i32 from vector<1xi32>
      %eq3A = arith.cmpi eq, %squeeze3A, %squeeze3A_42 : i32
      %eq3A_47 = arith.cmpi eq, %squeeze3A_44, %squeeze3A_46 : i32
      %and3A = arith.andi %eq3A, %eq3A_47 : i1
      %mul3A_48 = arith.constant 128 : i32
      %mul3A_49 = arith.muli %squeeze3A, %mul3A_48 : i32
      %add3A_50 = arith.addi %mul3A_49, %squeeze3A_44 : i32
      %eq3A_51 = arith.cmpi eq, %add3A_50, %scan3A_19 : i32
      %and3A_52 = arith.andi %and3A, %eq3A_51 : i1
      %convert_element_type3A = arith.extui %and3A_52 : i1 to i32
      %cond3A = arith.constant 0 : i32
      %cond3A_53 = arith.cmpi ne, %convert_element_type3A, %cond3A : i32
      %cond3A_54 = scf.if %cond3A_53 -> (i32) {
        scf.yield %scan3A_20 : i32
      } else {
        %while3A_68 = arith.constant 0 : i32
        %while3A_69 = arith.subi %scan3A_20, %while3A_68 : i32
        %while3A_70 = arith.addi %while3A_68, %while3A_69 : i32
        %while3A_71 = arith.constant 1 : i32
        %while3A_72 = arith.divsi %while3A_69, %while3A_71 : i32
        %while3A_73 = arith.muli %while3A_72, %while3A_71 : i32
        %while3A_74 = arith.addi %while3A_68, %while3A_73 : i32
        %while3A_75 = arith.constant 1 : i32
        scf.for %while3A_196 = %while3A_68 to %while3A_74 step %while3A_75  : i32 {
          %dma_wait3A_197 = arith.constant 0 : i32
          %dma_wait3A_198 = tpu.memref_slice %arg5[%mul3A_2, %dma_wait3A_197] : memref<320000x128xf32, #tpu.memory_space<hbm>> -> memref<80x128xf32, #tpu.memory_space<hbm>>
          %dma_wait3A_199 = arith.constant 0 : i32
          %dma_wait3A_200 = tpu.memref_slice %arg5[%mul3A_2, %dma_wait3A_199] : memref<320000x128xf32, #tpu.memory_space<hbm>> -> memref<80x128xf32, #tpu.memory_space<hbm>>
          tpu.wait_dma2 semaphore(%arg11 : memref<!tpu.dma_semaphore, #tpu.memory_space<semaphore_mem>>) src(%arg9 : memref<80x128xf32, #tpu.memory_space<vmem>>) dst(%dma_wait3A_200 : memref<80x128xf32, #tpu.memory_space<hbm>>)
        }
        %while3A_76 = arith.constant 1 : i32
        scf.for %while3A_196 = %while3A_74 to %while3A_70 step %while3A_76  : i32 {
          %dma_wait3A_197 = arith.constant 0 : i32
          %dma_wait3A_198 = tpu.memref_slice %arg5[%mul3A_2, %dma_wait3A_197] : memref<320000x128xf32, #tpu.memory_space<hbm>> -> memref<80x128xf32, #tpu.memory_space<hbm>>
          %dma_wait3A_199 = arith.constant 0 : i32
          %dma_wait3A_200 = tpu.memref_slice %arg5[%mul3A_2, %dma_wait3A_199] : memref<320000x128xf32, #tpu.memory_space<hbm>> -> memref<80x128xf32, #tpu.memory_space<hbm>>
          tpu.wait_dma2 semaphore(%arg11 : memref<!tpu.dma_semaphore, #tpu.memory_space<semaphore_mem>>) src(%arg9 : memref<80x128xf32, #tpu.memory_space<vmem>>) dst(%dma_wait3A_200 : memref<80x128xf32, #tpu.memory_space<hbm>>)
        }
        %add3A_77 = arith.constant 0 : i32
        %add3A_78 = arith.addi %mul3A_22, %add3A_77 : i32
        %add3A_79 = arith.constant 0 : i32
        %add3A_80 = arith.addi %add3A_78, %add3A_79 : i32
        %get3A_81 = arith.index_cast %add3A_80 : i32 to index
        %get3A_82 = tpu.vector_load %arg6[%get3A_81] {strides = array<i32>} : memref<10000xi32, #tpu.memory_space<vmem>>, vector<16xi32>,
        %get3A_83 = vector.shape_cast %get3A_82 : vector<16xi32> to vector<16xi32>
        %mul3A_84 = arith.constant 128 : i32
        %mul3A_85 = vector.broadcast %mul3A_84 : i32 to vector<16xi32>
        %mul3A_86 = arith.muli %get3A_83, %mul3A_85 : vector<16xi32>
        %get3A_87 = arith.index_cast %add3A_80 : i32 to index
        %get3A_88 = tpu.vector_load %arg7[%get3A_87] {strides = array<i32>} : memref<10000xi32, #tpu.memory_space<vmem>>, vector<16xi32>,
        %get3A_89 = vector.shape_cast %get3A_88 : vector<16xi32> to vector<16xi32>
        %add3A_90 = arith.addi %mul3A_86, %get3A_89 : vector<16xi32>
        %swap3A = arith.constant 0 : i32
        %swap3A_91 = arith.index_cast %swap3A : i32 to index
        %swap3A_92 = arith.constant 0 : index
        %swap3A_93 = tpu.vector_load %arg8[%swap3A_91, %swap3A_92] {strides = array<i32>} : memref<1x80xi32, #tpu.memory_space<vmem>>, vector<1x16xi32>,
        %swap3A_94 = vector.shape_cast %swap3A_93 : vector<1x16xi32> to vector<16xi32>
        %swap3A_95 = vector.shape_cast %add3A_90 : vector<16xi32> to vector<1x16xi32>
        tpu.vector_store %arg8[%swap3A_91, %swap3A_92], %swap3A_95 {strides = array<i32>} : memref<1x80xi32, #tpu.memory_space<vmem>>, vector<1x16xi32>,
        %add3A_96 = arith.constant 0 : i32
        %add3A_97 = arith.addi %mul3A_22, %add3A_96 : i32
        %add3A_98 = arith.constant 16 : i32
        %add3A_99 = arith.addi %add3A_97, %add3A_98 : i32
        %get3A_100 = arith.index_cast %add3A_99 : i32 to index
        %get3A_101 = tpu.vector_load %arg6[%get3A_100] {strides = array<i32>} : memref<10000xi32, #tpu.memory_space<vmem>>, vector<16xi32>,
        %get3A_102 = vector.shape_cast %get3A_101 : vector<16xi32> to vector<16xi32>
        %mul3A_103 = arith.constant 128 : i32
        %mul3A_104 = vector.broadcast %mul3A_103 : i32 to vector<16xi32>
        %mul3A_105 = arith.muli %get3A_102, %mul3A_104 : vector<16xi32>
        %get3A_106 = arith.index_cast %add3A_99 : i32 to index
        %get3A_107 = tpu.vector_load %arg7[%get3A_106] {strides = array<i32>} : memref<10000xi32, #tpu.memory_space<vmem>>, vector<16xi32>,
        %get3A_108 = vector.shape_cast %get3A_107 : vector<16xi32> to vector<16xi32>
        %add3A_109 = arith.addi %mul3A_105, %get3A_108 : vector<16xi32>
        %swap3A_110 = arith.constant 0 : i32
        %swap3A_111 = arith.index_cast %swap3A_110 : i32 to index
        %swap3A_112 = arith.constant 16 : index
        %swap3A_113 = tpu.vector_load %arg8[%swap3A_111, %swap3A_112] {strides = array<i32>} : memref<1x80xi32, #tpu.memory_space<vmem>>, vector<1x16xi32>,
        %swap3A_114 = vector.shape_cast %swap3A_113 : vector<1x16xi32> to vector<16xi32>
        %swap3A_115 = vector.shape_cast %add3A_109 : vector<16xi32> to vector<1x16xi32>
        tpu.vector_store %arg8[%swap3A_111, %swap3A_112], %swap3A_115 {strides = array<i32>} : memref<1x80xi32, #tpu.memory_space<vmem>>, vector<1x16xi32>,
        %add3A_116 = arith.constant 0 : i32
        %add3A_117 = arith.addi %mul3A_22, %add3A_116 : i32
        %add3A_118 = arith.constant 32 : i32
        %add3A_119 = arith.addi %add3A_117, %add3A_118 : i32
        %get3A_120 = arith.index_cast %add3A_119 : i32 to index
        %get3A_121 = tpu.vector_load %arg6[%get3A_120] {strides = array<i32>} : memref<10000xi32, #tpu.memory_space<vmem>>, vector<16xi32>,
        %get3A_122 = vector.shape_cast %get3A_121 : vector<16xi32> to vector<16xi32>
        %mul3A_123 = arith.constant 128 : i32
        %mul3A_124 = vector.broadcast %mul3A_123 : i32 to vector<16xi32>
        %mul3A_125 = arith.muli %get3A_122, %mul3A_124 : vector<16xi32>
        %get3A_126 = arith.index_cast %add3A_119 : i32 to index
        %get3A_127 = tpu.vector_load %arg7[%get3A_126] {strides = array<i32>} : memref<10000xi32, #tpu.memory_space<vmem>>, vector<16xi32>,
        %get3A_128 = vector.shape_cast %get3A_127 : vector<16xi32> to vector<16xi32>
        %add3A_129 = arith.addi %mul3A_125, %get3A_128 : vector<16xi32>
        %swap3A_130 = arith.constant 0 : i32
        %swap3A_131 = arith.index_cast %swap3A_130 : i32 to index
        %swap3A_132 = arith.constant 32 : index
        %swap3A_133 = tpu.vector_load %arg8[%swap3A_131, %swap3A_132] {strides = array<i32>} : memref<1x80xi32, #tpu.memory_space<vmem>>, vector<1x16xi32>,
        %swap3A_134 = vector.shape_cast %swap3A_133 : vector<1x16xi32> to vector<16xi32>
        %swap3A_135 = vector.shape_cast %add3A_129 : vector<16xi32> to vector<1x16xi32>
        tpu.vector_store %arg8[%swap3A_131, %swap3A_132], %swap3A_135 {strides = array<i32>} : memref<1x80xi32, #tpu.memory_space<vmem>>, vector<1x16xi32>,
        %add3A_136 = arith.constant 0 : i32
        %add3A_137 = arith.addi %mul3A_22, %add3A_136 : i32
        %add3A_138 = arith.constant 48 : i32
        %add3A_139 = arith.addi %add3A_137, %add3A_138 : i32
        %get3A_140 = arith.index_cast %add3A_139 : i32 to index
        %get3A_141 = tpu.vector_load %arg6[%get3A_140] {strides = array<i32>} : memref<10000xi32, #tpu.memory_space<vmem>>, vector<16xi32>,
        %get3A_142 = vector.shape_cast %get3A_141 : vector<16xi32> to vector<16xi32>
        %mul3A_143 = arith.constant 128 : i32
        %mul3A_144 = vector.broadcast %mul3A_143 : i32 to vector<16xi32>
        %mul3A_145 = arith.muli %get3A_142, %mul3A_144 : vector<16xi32>
        %get3A_146 = arith.index_cast %add3A_139 : i32 to index
        %get3A_147 = tpu.vector_load %arg7[%get3A_146] {strides = array<i32>} : memref<10000xi32, #tpu.memory_space<vmem>>, vector<16xi32>,
        %get3A_148 = vector.shape_cast %get3A_147 : vector<16xi32> to vector<16xi32>
        %add3A_149 = arith.addi %mul3A_145, %get3A_148 : vector<16xi32>
        %swap3A_150 = arith.constant 0 : i32
        %swap3A_151 = arith.index_cast %swap3A_150 : i32 to index
        %swap3A_152 = arith.constant 48 : index
        %swap3A_153 = tpu.vector_load %arg8[%swap3A_151, %swap3A_152] {strides = array<i32>} : memref<1x80xi32, #tpu.memory_space<vmem>>, vector<1x16xi32>,
        %swap3A_154 = vector.shape_cast %swap3A_153 : vector<1x16xi32> to vector<16xi32>
        %swap3A_155 = vector.shape_cast %add3A_149 : vector<16xi32> to vector<1x16xi32>
        tpu.vector_store %arg8[%swap3A_151, %swap3A_152], %swap3A_155 {strides = array<i32>} : memref<1x80xi32, #tpu.memory_space<vmem>>, vector<1x16xi32>,
        %add3A_156 = arith.constant 0 : i32
        %add3A_157 = arith.addi %mul3A_22, %add3A_156 : i32
        %add3A_158 = arith.constant 64 : i32
        %add3A_159 = arith.addi %add3A_157, %add3A_158 : i32
        %get3A_160 = arith.index_cast %add3A_159 : i32 to index
        %get3A_161 = tpu.vector_load %arg6[%get3A_160] {strides = array<i32>} : memref<10000xi32, #tpu.memory_space<vmem>>, vector<16xi32>,
        %get3A_162 = vector.shape_cast %get3A_161 : vector<16xi32> to vector<16xi32>
        %mul3A_163 = arith.constant 128 : i32
        %mul3A_164 = vector.broadcast %mul3A_163 : i32 to vector<16xi32>
        %mul3A_165 = arith.muli %get3A_162, %mul3A_164 : vector<16xi32>
        %get3A_166 = arith.index_cast %add3A_159 : i32 to index
        %get3A_167 = tpu.vector_load %arg7[%get3A_166] {strides = array<i32>} : memref<10000xi32, #tpu.memory_space<vmem>>, vector<16xi32>,
        %get3A_168 = vector.shape_cast %get3A_167 : vector<16xi32> to vector<16xi32>
        %add3A_169 = arith.addi %mul3A_165, %get3A_168 : vector<16xi32>
        %swap3A_170 = arith.constant 0 : i32
        %swap3A_171 = arith.index_cast %swap3A_170 : i32 to index
        %swap3A_172 = arith.constant 64 : index
        %swap3A_173 = tpu.vector_load %arg8[%swap3A_171, %swap3A_172] {strides = array<i32>} : memref<1x80xi32, #tpu.memory_space<vmem>>, vector<1x16xi32>,
        %swap3A_174 = vector.shape_cast %swap3A_173 : vector<1x16xi32> to vector<16xi32>
        %swap3A_175 = vector.shape_cast %add3A_169 : vector<16xi32> to vector<1x16xi32>
        tpu.vector_store %arg8[%swap3A_171, %swap3A_172], %swap3A_175 {strides = array<i32>} : memref<1x80xi32, #tpu.memory_space<vmem>>, vector<1x16xi32>,
        %dma_start3A_176 = arith.constant 0 : i32
        %dma_start3A_177 = arith.constant 0 : i32
        %dma_start3A_178 = arith.constant 0 : i32
        %dma_start3A_179 = tpu.memref_slice %arg9[%dma_start3A_177, %dma_start3A_178] : memref<80x128xf32, #tpu.memory_space<vmem>> -> memref<80x128xf32, #tpu.memory_space<vmem>>
        %dma_start3A_180 = arith.constant 0 : i32
        %dma_start3A_181 = tpu.memref_slice %arg8[%dma_start3A_176, %dma_start3A_180] : memref<1x80xi32, #tpu.memory_space<vmem>> -> memref<1x80xi32, #tpu.memory_space<vmem>>
        %dma_start3A_182 = tpu.memref_squeeze %dma_start3A_181 : memref<1x80xi32, #tpu.memory_space<vmem>> -> memref<80xi32, #tpu.memory_space<vmem>>
        %dma_start3A_183 = arith.constant 0 : i32
        %dma_start3A_184 = arith.constant 0 : i32
        %dma_start3A_185 = tpu.memref_slice %arg4[%dma_start3A_183, %dma_start3A_184] : memref<2048x128xf32, #tpu.memory_space<hbm>> -> memref<2048x128xf32, #tpu.memory_space<hbm>>
        tpu.enqueue_indirect_dma source(%dma_start3A_185 : memref<2048x128xf32, #tpu.memory_space<hbm>>) target(%dma_start3A_179 : memref<80x128xf32, #tpu.memory_space<vmem>>) offsets(%dma_start3A_182 : memref<80xi32, #tpu.memory_space<vmem>>) semaphore(%arg10 : memref<!tpu.dma_semaphore, #tpu.memory_space<semaphore_mem>>)
        %dma_wait3A = arith.constant 0 : i32
        %dma_wait3A_186 = arith.constant 0 : i32
        %dma_wait3A_187 = arith.constant 0 : i32
        %dma_wait3A_188 = tpu.memref_slice %arg9[%dma_wait3A_186, %dma_wait3A_187] : memref<80x128xf32, #tpu.memory_space<vmem>> -> memref<80x128xf32, #tpu.memory_space<vmem>>
        %dma_wait3A_189 = arith.constant 0 : i32
        %dma_wait3A_190 = tpu.memref_slice %arg8[%dma_wait3A, %dma_wait3A_189] : memref<1x80xi32, #tpu.memory_space<vmem>> -> memref<1x80xi32, #tpu.memory_space<vmem>>
        %dma_wait3A_191 = tpu.memref_squeeze %dma_wait3A_190 : memref<1x80xi32, #tpu.memory_space<vmem>> -> memref<80xi32, #tpu.memory_space<vmem>>
        %dma_wait3A_192 = arith.constant 0 : i32
        %dma_wait3A_193 = arith.constant 0 : i32
        %dma_wait3A_194 = tpu.memref_slice %arg4[%dma_wait3A_192, %dma_wait3A_193] : memref<2048x128xf32, #tpu.memory_space<hbm>> -> memref<2048x128xf32, #tpu.memory_space<hbm>>
        tpu.wait_indirect_dma semaphore(%arg10 : memref<!tpu.dma_semaphore, #tpu.memory_space<semaphore_mem>>) src(%dma_wait3A_194 : memref<2048x128xf32, #tpu.memory_space<hbm>>) dst(%dma_wait3A_188 : memref<80x128xf32, #tpu.memory_space<vmem>>)
        %cond3A_195 = arith.constant 0 : i32
        scf.yield %cond3A_195 : i32
      }
      %add3A_55 = arith.addi %mul3A_2, %mul3A_22 : i32
      %dma_start3A = arith.constant 0 : i32
      %dma_start3A_56 = tpu.memref_slice %arg5[%add3A_55, %dma_start3A] : memref<320000x128xf32, #tpu.memory_space<hbm>> -> memref<80x128xf32, #tpu.memory_space<hbm>>
      %dma_start3A_57 = arith.constant 0 : i32
      %dma_start3A_58 = tpu.memref_slice %arg5[%add3A_55, %dma_start3A_57] : memref<320000x128xf32, #tpu.memory_space<hbm>> -> memref<80x128xf32, #tpu.memory_space<hbm>>
      tpu.enqueue_dma source(%arg9 : memref<80x128xf32, #tpu.memory_space<vmem>>) target(%dma_start3A_58 : memref<80x128xf32, #tpu.memory_space<hbm>>) target_semaphore(%arg11 : memref<!tpu.dma_semaphore, #tpu.memory_space<semaphore_mem>>)
      %convert_element_type3A_59 = arith.extui %and3A : i1 to i32
      %mul3A_60 = arith.muli %convert_element_type3A_59, %add3A_50 : i32
      %sub3A_61 = arith.constant 1 : i32
      %sub3A_62 = arith.subi %sub3A_61, %convert_element_type3A_59 : i32
      %mul3A_63 = arith.constant -1 : i32
      %mul3A_64 = arith.muli %sub3A_62, %mul3A_63 : i32
      %add3A_65 = arith.addi %mul3A_60, %mul3A_64 : i32
      %add3A_66 = arith.constant 1 : i32
      %add3A_67 = arith.addi %cond3A_54, %add3A_66 : i32
      scf.yield %add3A_65, %add3A_67 : i32, i32
    }
    %scan3A_9 = arith.constant 125 : i32
    %while3A = arith.constant 0 : i32
    %while3A_10 = arith.subi %scan3A_8#1, %while3A : i32
    %while3A_11 = arith.addi %while3A, %while3A_10 : i32
    %while3A_12 = arith.constant 1 : i32
    %while3A_13 = arith.divsi %while3A_10, %while3A_12 : i32
    %while3A_14 = arith.muli %while3A_13, %while3A_12 : i32
    %while3A_15 = arith.addi %while3A, %while3A_14 : i32
    %while3A_16 = arith.constant 1 : i32
    scf.for %while3A_18 = %while3A to %while3A_15 step %while3A_16  : i32 {
      %dma_wait3A = arith.constant 0 : i32
      %dma_wait3A_19 = tpu.memref_slice %arg5[%mul3A_2, %dma_wait3A] : memref<320000x128xf32, #tpu.memory_space<hbm>> -> memref<80x128xf32, #tpu.memory_space<hbm>>
      %dma_wait3A_20 = arith.constant 0 : i32
      %dma_wait3A_21 = tpu.memref_slice %arg5[%mul3A_2, %dma_wait3A_20] : memref<320000x128xf32, #tpu.memory_space<hbm>> -> memref<80x128xf32, #tpu.memory_space<hbm>>
      tpu.wait_dma2 semaphore(%arg11 : memref<!tpu.dma_semaphore, #tpu.memory_space<semaphore_mem>>) src(%arg9 : memref<80x128xf32, #tpu.memory_space<vmem>>) dst(%dma_wait3A_21 : memref<80x128xf32, #tpu.memory_space<hbm>>)
    }
    %while3A_17 = arith.constant 1 : i32
    scf.for %while3A_18 = %while3A_15 to %while3A_11 step %while3A_17  : i32 {
      %dma_wait3A = arith.constant 0 : i32
      %dma_wait3A_19 = tpu.memref_slice %arg5[%mul3A_2, %dma_wait3A] : memref<320000x128xf32, #tpu.memory_space<hbm>> -> memref<80x128xf32, #tpu.memory_space<hbm>>
      %dma_wait3A_20 = arith.constant 0 : i32
      %dma_wait3A_21 = tpu.memref_slice %arg5[%mul3A_2, %dma_wait3A_20] : memref<320000x128xf32, #tpu.memory_space<hbm>> -> memref<80x128xf32, #tpu.memory_space<hbm>>
      tpu.wait_dma2 semaphore(%arg11 : memref<!tpu.dma_semaphore, #tpu.memory_space<semaphore_mem>>) src(%arg9 : memref<80x128xf32, #tpu.memory_space<vmem>>) dst(%dma_wait3A_21 : memref<80x128xf32, #tpu.memory_space<hbm>>)
    }
    return
  }
}

module attributes {stable_mosaic.version = 14 : i64} {
  func.func @_middle_body(%arg0: memref<144x256xf32, #tpu.memory_space<vmem>>, %arg1: memref<128x256xf32, #tpu.memory_space<vmem>>, %arg2: memref<1x256xf32, #tpu.memory_space<vmem>>, %arg3: memref<512x128xf32, #tpu.memory_space<vmem>>, %arg4: memref<1x128xf32, #tpu.memory_space<vmem>>, %arg5: memref<2048x128xf32, #tpu.memory_space<vmem>>) attributes {dimension_semantics = [], scalar_prefetch = 0 : i64, scratch_operands = 0 : i64, tpu.core_type = #tpu.core_type<tc>} {
    %get3A = arith.constant 0 : index
    %get3A_0 = arith.constant 0 : index
    %get3A_1 = vector.load %arg0[%get3A, %get3A_0] : memref<144x256xf32, #tpu.memory_space<vmem>>, vector<144x128xf32>
    %get3A_2 = arith.constant 0 : index
    %get3A_3 = arith.constant 128 : index
    %get3A_4 = vector.load %arg0[%get3A_2, %get3A_3] : memref<144x256xf32, #tpu.memory_space<vmem>>, vector<144x128xf32>
    %max3A = arith.constant 9.99999997E-7 : f32
    %max3A_5 = vector.broadcast %max3A : f32 to vector<144x128xf32>
    %max3A_6 = arith.maximumf %get3A_4, %max3A_5 : vector<144x128xf32>
    %div3A = arith.divf %get3A_1, %max3A_6 : vector<144x128xf32>
    %get3A_7 = arith.constant 0 : index
    %get3A_8 = arith.constant 0 : index
    %get3A_9 = vector.load %arg1[%get3A_7, %get3A_8] : memref<128x256xf32, #tpu.memory_space<vmem>>, vector<128x256xf32>
    %dot_general3A = arith.constant dense<0.000000e+00> : vector<144x256xf32>
    %dot_general3A_10 = tpu.matmul %div3A, %get3A_9, %dot_general3A {dimension_numbers = #tpu.dot_dimension_numbers<[1], [0], [0], [1], [0, 0, 1, 1], [], []>, precision = #tpu.contract_precision<fp32>, transpose_lhs_hint = false} : vector<144x128xf32>, vector<128x256xf32>, vector<144x256xf32> -> vector<144x256xf32>
    %get3A_11 = arith.constant 0 : index
    %get3A_12 = arith.constant 0 : index
    %get3A_13 = vector.load %arg2[%get3A_11, %get3A_12] : memref<1x256xf32, #tpu.memory_space<vmem>>, vector<1x256xf32>
    %get3A_14 = vector.shape_cast %get3A_13 : vector<1x256xf32> to vector<256xf32>
    %broadcast_in_dim3A = vector.shape_cast %get3A_14 : vector<256xf32> to vector<1x256xf32>
    %add3A = vector.broadcast %broadcast_in_dim3A : vector<1x256xf32> to vector<144x256xf32>
    %add3A_15 = arith.addf %dot_general3A_10, %add3A : vector<144x256xf32>
    %integer_pow3A = arith.mulf %add3A_15, %add3A_15 : vector<144x256xf32>
    %integer_pow3A_16 = arith.mulf %add3A_15, %integer_pow3A : vector<144x256xf32>
    %mul3A = arith.constant 4.471500e-02 : f32
    %mul3A_17 = vector.broadcast %mul3A : f32 to vector<144x256xf32>
    %mul3A_18 = arith.mulf %mul3A_17, %integer_pow3A_16 : vector<144x256xf32>
    %add3A_19 = arith.addf %add3A_15, %mul3A_18 : vector<144x256xf32>
    %mul3A_20 = arith.constant 0.797884583 : f32
    %mul3A_21 = vector.broadcast %mul3A_20 : f32 to vector<144x256xf32>
    %mul3A_22 = arith.mulf %mul3A_21, %add3A_19 : vector<144x256xf32>
    %tanh3A = math.tanh %mul3A_22 : vector<144x256xf32>
    %add3A_23 = arith.constant 1.000000e+00 : f32
    %add3A_24 = vector.broadcast %add3A_23 : f32 to vector<144x256xf32>
    %add3A_25 = arith.addf %add3A_24, %tanh3A : vector<144x256xf32>
    %mul3A_26 = arith.constant 5.000000e-01 : f32
    %mul3A_27 = vector.broadcast %mul3A_26 : f32 to vector<144x256xf32>
    %mul3A_28 = arith.mulf %mul3A_27, %add3A_25 : vector<144x256xf32>
    %mul3A_29 = arith.mulf %add3A_15, %mul3A_28 : vector<144x256xf32>
    %slice3A = vector.extract_strided_slice %mul3A_29 {offsets = [0, 0], sizes = [16, 256], strides = [1, 1]} : vector<144x256xf32> to vector<16x256xf32>
    %get3A_30 = arith.constant 0 : index
    %get3A_31 = arith.constant 0 : index
    %get3A_32 = vector.load %arg3[%get3A_30, %get3A_31] : memref<512x128xf32, #tpu.memory_space<vmem>>, vector<256x128xf32>
    %dot_general3A_33 = arith.constant dense<0.000000e+00> : vector<16x128xf32>
    %dot_general3A_34 = tpu.matmul %slice3A, %get3A_32, %dot_general3A_33 {dimension_numbers = #tpu.dot_dimension_numbers<[1], [0], [0], [1], [0, 0, 1, 1], [], []>, precision = #tpu.contract_precision<fp32>, transpose_lhs_hint = false} : vector<16x256xf32>, vector<256x128xf32>, vector<16x128xf32> -> vector<16x128xf32>
    %slice3A_35 = vector.extract_strided_slice %mul3A_29 {offsets = [16, 0], sizes = [128, 256], strides = [1, 1]} : vector<144x256xf32> to vector<128x256xf32>
    %get3A_36 = arith.constant 256 : index
    %get3A_37 = arith.constant 0 : index
    %get3A_38 = vector.load %arg3[%get3A_36, %get3A_37] : memref<512x128xf32, #tpu.memory_space<vmem>>, vector<256x128xf32>
    %dot_general3A_39 = arith.constant dense<0.000000e+00> : vector<128x128xf32>
    %dot_general3A_40 = tpu.matmul %slice3A_35, %get3A_38, %dot_general3A_39 {dimension_numbers = #tpu.dot_dimension_numbers<[1], [0], [0], [1], [0, 0, 1, 1], [], []>, precision = #tpu.contract_precision<fp32>, transpose_lhs_hint = false} : vector<128x256xf32>, vector<256x128xf32>, vector<128x128xf32> -> vector<128x128xf32>
    %get3A_41 = arith.constant 0 : index
    %get3A_42 = arith.constant 0 : index
    %get3A_43 = vector.load %arg4[%get3A_41, %get3A_42] : memref<1x128xf32, #tpu.memory_space<vmem>>, vector<1x128xf32>
    %get3A_44 = vector.shape_cast %get3A_43 : vector<1x128xf32> to vector<128xf32>
    %broadcast_in_dim3A_45 = vector.shape_cast %get3A_44 : vector<128xf32> to vector<1x128xf32>
    %add3A_46 = vector.broadcast %broadcast_in_dim3A_45 : vector<1x128xf32> to vector<16x128xf32>
    %add3A_47 = arith.addf %dot_general3A_34, %add3A_46 : vector<16x128xf32>
    %broadcast_in_dim3A_48 = vector.shape_cast %add3A_47 : vector<16x128xf32> to vector<16x1x128xf32>
    %broadcast_in_dim3A_49 = vector.shape_cast %dot_general3A_40 : vector<128x128xf32> to vector<1x128x128xf32>
    %add3A_50 = vector.broadcast %broadcast_in_dim3A_48 : vector<16x1x128xf32> to vector<16x128x128xf32>
    %add3A_51 = vector.broadcast %broadcast_in_dim3A_49 : vector<1x128x128xf32> to vector<16x128x128xf32>
    %add3A_52 = arith.addf %add3A_50, %add3A_51 : vector<16x128x128xf32>
    %reshape3A = vector.shape_cast %add3A_52 : vector<16x128x128xf32> to vector<2048x128xf32>
    %swap3A = arith.constant 0 : index
    %swap3A_53 = arith.constant 0 : index
    %swap3A_54 = vector.load %arg5[%swap3A, %swap3A_53] : memref<2048x128xf32, #tpu.memory_space<vmem>>, vector<2048x128xf32>
    tpu.vector_store %arg5[%swap3A, %swap3A_53], %reshape3A {strides = array<i32>} : memref<2048x128xf32, #tpu.memory_space<vmem>>, vector<2048x128xf32>,
    return
  }
}

module attributes {stable_mosaic.version = 14 : i64} {
  func.func @_reduce_body(%arg0: i32, %arg1: memref<3200x128xf32, #tpu.memory_space<vmem>>, %arg2: memref<1x1x3200xi32, #tpu.memory_space<vmem>>, %arg3: memref<1x1x3200xi32, #tpu.memory_space<vmem>>, %arg4: memref<1x1x3200xf32, #tpu.memory_space<vmem>>, %arg5: memref<144x256xf32, #tpu.memory_space<vmem>>) attributes {dimension_semantics = [#tpu.dimension_semantics<arbitrary>], iteration_bounds = array<i64: 100>, scalar_prefetch = 0 : i64, scratch_operands = 0 : i64, tpu.core_type = #tpu.core_type<tc>, window_params = [{transform_indices = @transform_0, window_bounds = array<i64: 3200, 128>}, {transform_indices = @transform_1, window_bounds = array<i64: 1, 1, 3200>}, {transform_indices = @transform_2, window_bounds = array<i64: 1, 1, 3200>}, {transform_indices = @transform_3, window_bounds = array<i64: 1, 1, 3200>}, {pipeline_mode = #tpu.pipeline_mode<synchronous>, transform_indices = @transform_4, window_bounds = array<i64: 144, 256>}]} {
    %eq3A = arith.constant 0 : i32
    %eq3A_0 = arith.cmpi eq, %arg0, %eq3A : i32
    %convert_element_type3A = arith.extui %eq3A_0 : i1 to i32
    %cond3A = arith.constant 0 : i32
    %cond3A_1 = arith.cmpi ne, %convert_element_type3A, %cond3A : i32
    scf.if %cond3A_1 {
      %broadcast_in_dim3A_45 = arith.constant 0.000000e+00 : f32
      %broadcast_in_dim3A_46 = vector.broadcast %broadcast_in_dim3A_45 : f32 to vector<144x256xf32>
      %swap3A_47 = arith.constant 0 : index
      %swap3A_48 = arith.constant 0 : index
      %swap3A_49 = vector.load %arg5[%swap3A_47, %swap3A_48] : memref<144x256xf32, #tpu.memory_space<vmem>>, vector<144x256xf32>
      tpu.vector_store %arg5[%swap3A_47, %swap3A_48], %broadcast_in_dim3A_46 {strides = array<i32>} : memref<144x256xf32, #tpu.memory_space<vmem>>, vector<144x256xf32>,
    } else {
    }
    %get3A = arith.constant 0 : index
    %get3A_2 = arith.constant 0 : index
    %get3A_3 = vector.load %arg1[%get3A, %get3A_2] : memref<3200x128xf32, #tpu.memory_space<vmem>>, vector<3200x128xf32>
    %get3A_4 = arith.constant 0 : index
    %get3A_5 = arith.constant 0 : index
    %get3A_6 = arith.constant 0 : index
    %get3A_7 = vector.load %arg2[%get3A_4, %get3A_5, %get3A_6] : memref<1x1x3200xi32, #tpu.memory_space<vmem>>, vector<1x1x3200xi32>
    %get3A_8 = vector.shape_cast %get3A_7 : vector<1x1x3200xi32> to vector<3200xi32>
    %get3A_9 = arith.constant 0 : index
    %get3A_10 = arith.constant 0 : index
    %get3A_11 = arith.constant 0 : index
    %get3A_12 = vector.load %arg3[%get3A_9, %get3A_10, %get3A_11] : memref<1x1x3200xi32, #tpu.memory_space<vmem>>, vector<1x1x3200xi32>
    %get3A_13 = vector.shape_cast %get3A_12 : vector<1x1x3200xi32> to vector<3200xi32>
    %get3A_14 = arith.constant 0 : index
    %get3A_15 = arith.constant 0 : index
    %get3A_16 = arith.constant 0 : index
    %get3A_17 = vector.load %arg4[%get3A_14, %get3A_15, %get3A_16] : memref<1x1x3200xf32, #tpu.memory_space<vmem>>, vector<1x1x3200xf32>
    %get3A_18 = vector.shape_cast %get3A_17 : vector<1x1x3200xf32> to vector<3200xf32>
    %iota3A = tpu.iota {dimensions = array<i32: 1>} : vector<3200x144xi32>
    %broadcast_in_dim3A = vector.shape_cast %get3A_8 : vector<3200xi32> to vector<3200x1xi32>
    %eq3A_19 = vector.broadcast %broadcast_in_dim3A : vector<3200x1xi32> to vector<3200x144xi32>
    %eq3A_20 = arith.cmpi eq, %eq3A_19, %iota3A : vector<3200x144xi32>
    %convert_element_type3A_21 = arith.extui %eq3A_20 : vector<3200x144xi1> to vector<3200x144xi32>
    %convert_element_type3A_22 = arith.sitofp %convert_element_type3A_21 : vector<3200x144xi32> to vector<3200x144xf32>
    %convert_element_type3A_23 = arith.truncf %convert_element_type3A_22 : vector<3200x144xf32> to vector<3200x144xbf16>
    %broadcast_in_dim3A_24 = vector.shape_cast %get3A_13 : vector<3200xi32> to vector<3200x1xi32>
    %sub3A = arith.constant 16 : i32
    %sub3A_25 = vector.broadcast %sub3A : i32 to vector<3200x144xi32>
    %sub3A_26 = arith.subi %iota3A, %sub3A_25 : vector<3200x144xi32>
    %eq3A_27 = vector.broadcast %broadcast_in_dim3A_24 : vector<3200x1xi32> to vector<3200x144xi32>
    %eq3A_28 = arith.cmpi eq, %eq3A_27, %sub3A_26 : vector<3200x144xi32>
    %convert_element_type3A_29 = arith.extui %eq3A_28 : vector<3200x144xi1> to vector<3200x144xi32>
    %convert_element_type3A_30 = arith.sitofp %convert_element_type3A_29 : vector<3200x144xi32> to vector<3200x144xf32>
    %convert_element_type3A_31 = arith.truncf %convert_element_type3A_30 : vector<3200x144xf32> to vector<3200x144xbf16>
    %add3A = arith.addf %convert_element_type3A_23, %convert_element_type3A_31 : vector<3200x144xbf16>
    %broadcast_in_dim3A_32 = vector.shape_cast %get3A_18 : vector<3200xf32> to vector<3200x1xf32>
    %convert_element_type3A_33 = arith.truncf %broadcast_in_dim3A_32 : vector<3200x1xf32> to vector<3200x1xbf16>
    %mul3A = vector.broadcast %convert_element_type3A_33 : vector<3200x1xbf16> to vector<3200x144xbf16>
    %mul3A_34 = arith.mulf %add3A, %mul3A : vector<3200x144xbf16>
    %convert_element_type3A_35 = arith.truncf %get3A_3 : vector<3200x128xf32> to vector<3200x128xbf16>
    %broadcast_in_dim3A_36 = arith.constant 1.000000e+00 : bf16
    %broadcast_in_dim3A_37 = vector.broadcast %broadcast_in_dim3A_36 : bf16 to vector<3200x128xbf16>
    %concatenate3A = tpu.concatenate %convert_element_type3A_35, %broadcast_in_dim3A_37 in 1 : vector<3200x128xbf16>, vector<3200x128xbf16> -> vector<3200x256xbf16>
    %get3A_38 = arith.constant 0 : index
    %get3A_39 = arith.constant 0 : index
    %get3A_40 = vector.load %arg5[%get3A_38, %get3A_39] : memref<144x256xf32, #tpu.memory_space<vmem>>, vector<144x256xf32>
    %dot_general3A = arith.constant dense<0.000000e+00> : vector<144x256xf32>
    %dot_general3A_41 = tpu.matmul %mul3A_34, %concatenate3A, %dot_general3A {dimension_numbers = #tpu.dot_dimension_numbers<[0], [0], [1], [1], [0, 1, 1, 1], [], []>, transpose_lhs_hint = false} : vector<3200x144xbf16>, vector<3200x256xbf16>, vector<144x256xf32> -> vector<144x256xf32>
    %add3A_42 = arith.addf %get3A_40, %dot_general3A_41 : vector<144x256xf32>
    %swap3A = arith.constant 0 : index
    %swap3A_43 = arith.constant 0 : index
    %swap3A_44 = vector.load %arg5[%swap3A, %swap3A_43] : memref<144x256xf32, #tpu.memory_space<vmem>>, vector<144x256xf32>
    tpu.vector_store %arg5[%swap3A, %swap3A_43], %add3A_42 {strides = array<i32>} : memref<144x256xf32, #tpu.memory_space<vmem>>, vector<144x256xf32>,
    return
  }
  func.func @transform_0(%arg0: i32) -> (i32, i32) {
    %c0_i32 = arith.constant 0 : i32
    %c0_i32_0 = arith.constant 0 : i32
    return %arg0, %c0_i32 : i32, i32
  }
  func.func @transform_1(%arg0: i32) -> (i32, i32, i32) {
    %c0_i32 = arith.constant 0 : i32
    %c0_i32_0 = arith.constant 0 : i32
    %c0_i32_1 = arith.constant 0 : i32
    return %arg0, %c0_i32, %c0_i32_0 : i32, i32, i32
  }
  func.func @transform_2(%arg0: i32) -> (i32, i32, i32) {
    %c0_i32 = arith.constant 0 : i32
    %c0_i32_0 = arith.constant 0 : i32
    %c0_i32_1 = arith.constant 0 : i32
    return %arg0, %c0_i32, %c0_i32_0 : i32, i32, i32
  }
  func.func @transform_3(%arg0: i32) -> (i32, i32, i32) {
    %c0_i32 = arith.constant 0 : i32
    %c0_i32_0 = arith.constant 0 : i32
    %c0_i32_1 = arith.constant 0 : i32
    return %arg0, %c0_i32, %c0_i32_0 : i32, i32, i32
  }
  func.func @transform_4(%arg0: i32) -> (i32, i32) {
    %c0_i32 = arith.constant 0 : i32
    %c0_i32_0 = arith.constant 0 : i32
    %c0_i32_1 = arith.constant 0 : i32
    return %c0_i32, %c0_i32_0 : i32, i32
  }
}

</mosaic_0001>

<sc_bundles>
// kernel: kernel.5.cloned.1.call-start
scs
__scs_entry_jumppad:
0x0: {  	(pc) =	sbr.rel $0x88, $3  }
0x1: {  	(tag) =	ssettag $0x0;
	lr =	simm.s32 $0x1  }
0x2: {  	[smem:$0x3F99] =	sst lr;
	_ =	strace $0xD0000000  }
0x3: {  	_ = 	snop  }
0x4: {  	_ = 	snop  }
0x5: {  	_ = 	snop  }
0x6: {  	_ = 	snop  }
0x7: {  	_ = 	snop  }
__scs_overlays_trampoline_lowered:
0x8: {  	[smem:$0x3FA8] =	sst s0  }
0x9: {  	[smem:$0x3FA9] =	sst s1  }
0xa: {  	[smem:$0x3FAA] =	sst s2  }
0xb: {  	[smem:$0x3FAB] =	sst s3  }
0xc: {  	[smem:$0x3FAC] =	sst s4  }
0xd: {  	[smem:$0x3FAD] =	sst s5  }
0xe: {  	[smem:$0x3FAE] =	sst s6  }
0xf: {  	[smem:$0x3FAF] =	sst s7  }
0x10: {  	[smem:$0x3FB0] =	sst s8  }
0x11: {  	[smem:$0x3FB1] =	sst s9;
	s0 =	simm.s32 @!p0 $0x0  }
0x12: {  	s1 =	sld [smem:$0x3F97];
	s0 =	simm.s32 @p0 $0x1  }
0x13: {  	[smem:$0x3FB2] =	sst s0;
	s0 =	simm.s32 @!p1 $0x0  }
0x14: {  	s2 =	sld [smem:$0x3F96];
	s0 =	simm.s32 @p1 $0x1  }
0x15: {  	[smem:$0x3FB3] =	sst s0;
	s0 =	simm.s32 @!p2 $0x0  }
0x16: {  	s3 =	sld [smem:$0x3FDB];
	s0 =	simm.s32 @p2 $0x1  }
0x17: {  	s4 =	simm.s32 $0x1BF5;
	[smem:$0x3FB5] =	sst s0  }
0x18: {  	s0 =	sld [smem:$0x3F98];
	_ =	swait.ge [sflag:s4], $0x0  }
0x19: {  	s7 =	sld [smem:$0x3F99]  }
0x1a: {  	s8 =	sadd.s32 $0xFFFFE003, lr  }
0x1b: {  	s9 =	sadd.s32 $0xFFFFFEF7, lr;
	s5 =	simm.s32 $0xFFFFFFFF;
	p2 =	slt.u32 s8, $0xFFFFF086  }
0x1c: {  	p1 =	slt.u32 s9, $0xF7A;
	s5 =	simm.s32 @!p2 $0x0  }
0x1d: {  	s5 =	simm.s32 @p1 $0x1;
	p0 =	seq.s32 s7, s2  }
0x1e: {  	s7 =	smul.u32 @!p0 $0xF7A, s2;
	p2 =	seq.s32 @!p0 s5, $0x0  }
0x1f: {  	s9 =	smul.u32 $0xF7A, s1;
	s8 =	simm.s32 @!p0 $0x1BF5;
	p2 =	por !p2, p0  }
0x20: {  	[sflag:s8] =	ssyncset.s32 @!p0 $0xFFFFF086;
	s6 =	sadd.s32 @!p0 s3, s7;
	s7 =	simm.s32 @!p0 $0x108  }
0x21: {  	s3 =	sadd.s32 s3, s9;
	s6 =	sadd.s32 @!p0 $0x88, s6;
	s7 =	simm.s32 @p2 $0x1082  }
0x22: {  	[simem:s7], [sflag:s8] =	dma.local @!p0 [hbm:s6], $0xF7A  }
0x23: {  	s9 =	sor.u32 $0xD0000000, s2;
	s6 =	simm.s32 $0x108;
	_ =	swait.ge @!p0 [sflag:s8], $0x0  }
0x24: {  	s3 =	sadd.s32 $0x88, s3;
	s6 =	simm.s32 @!p1 $0x1082;
	[sflag:s4] =	ssyncset.s32 $0xFFFFF086  }
0x25: {  	[simem:s6], [sflag:s4] =	dma.local [hbm:s3], $0xF7A  }
0x26: {  	[smem:$0x3F99] =	sst s1;
	(tag) =	ssettag s2;
	_ =	strace s9  }
0x27: {  	s1 =	sld [smem:$0x3FA9]  }
0x28: {  	s2 =	sld [smem:$0x3FAA]  }
0x29: {  	s4 =	sld [smem:$0x3FAC]  }
0x2a: {  	p0 =	seq.s32 s5, $0x0;
	s5 =	sld [smem:$0x3FAD]  }
0x2b: {  	s6 =	sld [smem:$0x3FAE]  }
0x2c: {  	s7 =	sld [smem:$0x3FAF]  }
0x2d: {  	s3 =	simm.s32 $0x108;
	s8 =	sld [smem:$0x3FB0]  }
0x2e: {  	s3 =	simm.s32 @!p0 $0x1082;
	s9 =	sld [smem:$0x3FB1]  }
0x2f: {  	lr =	sadd.s32 s0, s3;
	s0 =	sld [smem:$0x3FA8]  }
0x30: {  	s3 =	sld [smem:$0x3FAB]  }
0x31: {  	[smem:$0x3FB4] =	sst s10  }
0x32: {  	s10 =	sld [smem:$0x3FB2];
	_ =	sdelay $0x3  }
0x33: {  	p0 =	seq.s32 s10, $0x1;
	s10 =	sld [smem:$0x3FB4];
	_ =	sdelay $0x3  }
0x34: {  	[smem:$0x3FB4] =	sst s10  }
0x35: {  	s10 =	sld [smem:$0x3FB3];
	_ =	sdelay $0x3  }
0x36: {  	p1 =	seq.s32 s10, $0x1;
	s10 =	sld [smem:$0x3FB4];
	_ =	sdelay $0x3  }
0x37: {  	[smem:$0x3FB4] =	sst s10  }
0x38: {  	s10 =	sld [smem:$0x3FB5]  }
0x39: {  	_ = 	snop;
	(pc) =	sbr.ind lr, $3  }
0x3a: {  	_ = 	snop  }
0x3b: {  	_ = 	snop  }
0x3c: {  	p2 =	seq.s32 s10, $0x1;
	s10 =	sld [smem:$0x3FB4]  }
0x3d: {  	_ =	shalt  }
0x3e: {  	_ =	shalt  }
0x3f: {  	_ =	shalt  }
0x40: {  	_ =	shalt  }
0x41: {  	_ =	shalt  }
0x42: {  	_ =	shalt  }
0x43: {  	_ =	shalt  }
0x44: {  	_ =	shalt  }
0x45: {  	_ =	shalt  }
0x46: {  	_ =	shalt  }
0x47: {  	_ =	shalt  }
0x48: {  	_ =	shalt  }
0x49: {  	_ =	shalt  }
0x4a: {  	_ =	shalt  }
0x4b: {  	_ =	shalt  }
0x4c: {  	_ =	shalt  }
0x4d: {  	_ =	shalt  }
0x4e: {  	_ =	shalt  }
0x4f: {  	_ =	shalt  }
0x50: {  	_ =	shalt  }
0x51: {  	_ =	shalt  }
0x52: {  	_ =	shalt  }
0x53: {  	_ =	shalt  }
0x54: {  	_ =	shalt  }
0x55: {  	_ =	shalt  }
0x56: {  	_ =	shalt  }
0x57: {  	_ =	shalt  }
0x58: {  	_ =	shalt  }
0x59: {  	_ =	shalt  }
0x5a: {  	_ =	shalt  }
0x5b: {  	_ =	shalt  }
0x5c: {  	_ =	shalt  }
0x5d: {  	_ =	shalt  }
0x5e: {  	_ =	shalt  }
0x5f: {  	_ =	shalt  }
0x60: {  	_ =	shalt  }
0x61: {  	_ =	shalt  }
0x62: {  	_ =	shalt  }
0x63: {  	_ =	shalt  }
0x64: {  	_ =	shalt  }
0x65: {  	_ =	shalt  }
0x66: {  	_ =	shalt  }
0x67: {  	_ =	shalt  }
0x68: {  	_ =	shalt  }
0x69: {  	_ =	shalt  }
0x6a: {  	_ =	shalt  }
0x6b: {  	_ =	shalt  }
0x6c: {  	_ =	shalt  }
0x6d: {  	_ =	shalt  }
0x6e: {  	_ =	shalt  }
0x6f: {  	_ =	shalt  }
0x70: {  	_ =	shalt  }
0x71: {  	_ =	shalt  }
0x72: {  	_ =	shalt  }
0x73: {  	_ =	shalt  }
0x74: {  	_ =	shalt  }
0x75: {  	_ =	shalt  }
0x76: {  	_ =	shalt  }
0x77: {  	_ =	shalt  }
0x78: {  	_ =	shalt  }
0x79: {  	_ =	shalt  }
0x7a: {  	_ =	shalt  }
0x7b: {  	_ =	shalt  }
0x7c: {  	_ =	shalt  }
0x7d: {  	_ =	shalt  }
0x7e: {  	_ =	shalt  }
0x7f: {  	_ =	shalt  }
0x80: {  	_ =	shalt  }
0x81: {  	_ =	shalt  }
0x82: {  	_ =	shalt  }
0x83: {  	_ =	shalt  }
0x84: {  	_ =	shalt  }
0x85: {  	_ =	shalt  }
0x86: {  	_ =	shalt  }
0x87: {  	_ =	shalt  }
.Lfunc_end0:
.L_simem_size_0:
called_computation_lowered:
.L_overlay_start_0:
0x88: {  	s2 =	sld [smem:$0x3FD9]  }
0x89: {  	s3 =	sld [smem:$0x3FFE];
	_ =	sdelay $0x1  }
0x8a: {  	s1 =	srdreg.scid  }
0x8b: {  	s0 =	sand.u32 $0x1, s1  }
0x8c: {  	s17 =	sshll.u32 s0, $0xA;
	s2 =	sadd.s32 s3, s2  }
0x8d: {  	s2 =	sadd.s32 s2, s17  }
0x8e: {  	[smem:$0x3FC0] =	sst s2  }
0x8f: {  	_ = 	snop  }
0x90: {  	s2 =	sld [smem:$0x3FC8]  }
0x91: {  	s18 =	sld [smem:$0x3FC7]  }
0x92: {  	s4 =	sld [smem:$0x3FD0];
	(tm) =	ssettm $0x1  }
0x93: {  	s5 =	sld [smem:$0x3FFB];
	_ =	sdelay $0x3  }
0x94: {  	_ =	strace s5  }
0x95: {  	s5 =	sld [smem:$0x3FFC];
	_ =	sdelay $0x3  }
0x96: {  	_ =	strace s5  }
0x97: {  	s5 =	sld [smem:$0x3FFD];
	_ =	sdelay $0x3  }
0x98: {  	_ =	strace s5  }
0x99: {  	_ =	strace $0x8FFFFFFF  }
0x9a: {  	s19 =	sld [smem:$0x3FDB];
	_ =	sdelay $0x1  }
0x9b: {  	s6 =	simm.s32 $_scs_section_size  }
0x9c: {  	s7 =	simm.s32 $_size__tile_overlayer_lowered;
	s8 =	simm.s32 $_tile_overlayer_lowered  }
0x9d: {  	s22 =	simm.s32 $0x1BFF;
	s21 =	sshll.u32 s8, $0x1;
	s5 =	sadd.s32 s6, s19  }
0x9e: {  	s9 =	simm.s32 $0x0;
	s20 =	sshll.u32 s7, $0x1;
	s7 =	sadd.s32 s21, s5  }
0x9f: {  	[timem:s9], [sflag:s22] =	dma.local [hbm:s7], s20  }
0xa0: {  	_ =	swait.ge [sflag:s22], s20  }
0xa1: {  	s6 =	ssub.s32 $0x0, s20;
	[sflag:s22] =	ssyncset.done $0x0  }
0xa2: {  	[sflag:s22] =	ssyncadd.s32 s6;
	_ =	sdelay $0x1  }
0xa3: {  	s23 =	simm.s32 $0x1B8B  }
0xa4: {  	_ =	swait.ge [sflag:s23], $0x1  }
0xa5: {  	[sflag:s23] =	ssyncset.done $0x0  }
0xa6: {  	s25 =	simm.s32 $0x1B8E;
	s24 =	sld [smem:$0x3FFE];
	[sflag:s23] =	ssyncadd.s32 $0xFFFFFFFF  }
0xa7: {  	s26 =	simm.s32 $execute0_lowered;
	[smem:$0x3FD2] =	sst s25  }
0xa8: {  	s7 =	sshll.u32 s26, $0x1;
	_ =	strace $0x80000046;
	[dreg:$0x1] =	wrdreg $0xFFFFFFFF  }
0xa9: {  	s28 =	simm.s32 $_size_execute0_lowered;
	s5 =	sadd.s32 s5, s7;
	[dreg:$0x0] =	wrdreg $0x0  }
0xaa: {  	s7 =	sshll.u32 s28, $0x1;
	[dreg:$0x2] =	wrdreg s5  }
0xab: {  	[dreg:$0x3] =	wrdreg s7  }
0xac: {  	[dreg:$0x4] =	wrdreg $0xC0  }
0xad: {  	_ =	task [dreg:s9], $0x5FFFF  }
0xae: {  	[dreg:$0x1] =	wrdreg $0xFFFFFFFF  }
0xaf: {  	[dreg:$0x0] =	wrdreg $0x60  }
0xb0: {  	[dreg:$0x2] =	wrdreg s18  }
0xb1: {  	[dreg:$0x3] =	wrdreg s2  }
0xb2: {  	[dreg:$0x4] =	wrdreg s24  }
0xb3: {  	[dreg:$0x5] =	wrdreg s4  }
0xb4: {  	[dreg:$0x6] =	wrdreg $0x9  }
0xb5: {  	_ =	task.clear_ibuf [dreg:s9], $0x7FFFF;
	_ =	strace $0x90000046  }
0xb6: {  	s29 =	simm.s32 $0x9;
	_ =	strace $0x80000048  }
0xb7: {  	_ =	swait.ge [sflag:s29], $0x1  }
0xb8: {  	[sflag:s29] =	ssyncadd.s32 $0xFFFFFFFF  }
0xb9: {  	_ =	strace $0x90000048  }
0xba: {  	_ =	sfence  }
0xbb: {  	s30 =	sld [smem:$0x0];
	_ =	sdelay $0x2  }
0xbc: {  	s31 =	sshll.u32 s1, $0xD;
	s1 =	sshrl.u32 s1, $0x2  }
0xbd: {  	s3 =	sand.u32 $0x4000, s31;
	s1 =	sadd.s32 s1, s30  }
0xbe: {  	s0 =	sor.u32 s3, s0;
	s1 =	sshll.u32 s1, $0x11  }
0xbf: {  	s0 =	sor.u32 s1, s0  }
0xc0: {  	s0 =	sadd.s32 $0x8F2B, s0  }
0xc1: {  	[sflag:s0] =	ssyncadd.remote.s32 $0x1  }
0xc2: {  	_ =	sfence.sel $0xFFFF  }
0xc3: {  	[dreg:$0x0] =	wrdreg $0xFFFFFFFF;
	(pc) =	sbr.abs _section_cstart, $3  }
0xc4: {  	[dreg:$0x1] =	wrdreg $0xFFFFFFFF  }
0xc5: {  	_ =	task.clear_ibuf [dreg:s9], $0x2FFFF;
	_ =	strace $0x9FFFFFFF  }
0xc6: {  	(tm) =	ssettm $0x7FFFFFFF  }
0xc7: {  	_ =	shalt  }
tec
execute0_lowered:
.L_overlay_start_1:
0x0: {  	(tag) =	ssettag $0x1  }
0x1: {  	s6 =	rddreg [dreg:$0x0]  }
0x2: {  	s7 =	rddreg [dreg:$0x1]  }
0x3: {  	s5 =	rddreg [dreg:$0x2];
	s1 =	srdreg.scid  }
0x4: {  	s0 =	stileid.u32;
	s2 =	rddreg [dreg:$0x3];
	s3 =	simm.s32 $0x0  }
0x5: {  	s11 =	simm.s32 $0x4F80;
	s12 =	simm.s32 $0x2;
	s13 =	simm.s32 $0x50  }
0x6: {  	s14 =	simm.s32 $0x4F00;
	s15 =	simm.s32 $0x1;
	s16 =	simm.s32 $0x0  }
0x7: {  	s8 =	sand.u32 $0x1, s1;
	s4 =	sshll.u32 s0, $0x1;
	s1 =	rddreg [dreg:$0x4]  }
.Ltmp0:
0x8: {  	s4 =	sor.u32 s8, s4;
	s8 =	ssub.s32 $0x2, s8;
	(pc) =	sbr.rel .LBB2_1-.Ltmp0, $4  }
0x9: {  	[smem:$0x7FF] =	sst s3;
	s4 =	smul.u32 $0x2710, s4;
	s9 =	sshrl.u32 s8, $0x1  }
0xa: {  	s5 =	sadd.s32 $0x1200, s5;
	_ =	strace $0x80000047;
	s8 =	ssub.s32 s8, s9  }
0xb: {  	s9 =	simm.s32 $0x3;
	s10 =	sshrl.u32 s4, $0x3;
	s8 =	smax.u32 s8, $0x1  }
0xc: {  	s6 =	sadd.s32 s6, s10;
	s7 =	sadd.s32 s7, s10;
	s10 =	simm.s32 $0x2780  }
.LBB2_12:
0xd: {  	[sflag:s12] =	ssyncadd.s32 $0xFFFFD800  }
.LBB2_13:
0xe: {  	s16 =	sadd.s32 $0x1, s16  }
0xf: {  	p0 =	sne.s32 s16, s8  }
.Ltmp1:
0x10: {  	_ = 	snop;
	(pc) =	sbr.rel @!p0 .LBB2_14-.Ltmp1, $1  }
0x11: {  	_ =	sdelay $0x3  }
.LBB2_1:
0x12: {  	[tilespmem:s3], [sflag:$0x3] =	stream.linear.gather [hbm4b:s6+s3], $0x2710, $0x38;
	[tilespmem:$0x7780] =	vst v63  }
0x13: {  	_ =	swait.ge [sflag:s9], $0x2710  }
0x14: {  	[sflag:s9] =	ssyncset.done $0x0  }
.Ltmp2:
0x15: {  	[sflag:s9] =	ssyncadd.s32 $0xFFFFD8F0;
	(pc) =	sbr.rel .LBB2_2-.Ltmp2, $4  }
0x16: {  	[tilespmem:s10], [sflag:$0x3] =	stream.linear.gather [hbm4b:s7+s3], $0x2710, $0x38;
	[tilespmem:$0x7780] =	vst v63  }
0x17: {  	_ =	swait.ge [sflag:s9], $0x2710  }
0x18: {  	s21 =	simm.s32 $0xFFFFFFFF;
	[sflag:s9] =	ssyncset.done $0x0  }
0x19: {  	s17 =	simm.s32 $0x0;
	s18 =	simm.s32 $0x0;
	[sflag:s9] =	ssyncadd.s32 $0xFFFFD8F0  }
.LBB2_6:
0x1a: {  	[sflag:s12] =	ssyncadd.s32 $0xFFFFD800  }
.LBB2_7:
0x1b: {  	v0 =	vshll.u32 v0, $0x7  }
0x1c: {  	v0 =	vadd.s32 v0, v1  }
0x1d: {  	[tilespmem:$0x4F00] =	vst v0  }
0x1e: {  	v0 =	vld [tilespmem:s19+$0x10]  }
0x1f: {  	v60 =	vld [tilespmem:s19+$0x2790];
	_ =	sdelay $0x3  }
0x20: {  	v0 =	vshll.u32 v0, $0x7  }
0x21: {  	v0 =	vadd.s32 v60, v0  }
0x22: {  	[tilespmem:$0x4F10] =	vst v0  }
0x23: {  	v0 =	vld [tilespmem:s19+$0x20]  }
0x24: {  	v61 =	vld [tilespmem:s19+$0x27A0];
	_ =	sdelay $0x3  }
0x25: {  	v0 =	vshll.u32 v0, $0x7  }
0x26: {  	v0 =	vadd.s32 v61, v0  }
0x27: {  	[tilespmem:$0x4F20] =	vst v0  }
0x28: {  	v0 =	vld [tilespmem:s19+$0x30]  }
0x29: {  	v62 =	vld [tilespmem:s19+$0x27B0];
	_ =	sdelay $0x3  }
0x2a: {  	v0 =	vshll.u32 v0, $0x7  }
0x2b: {  	v0 =	vadd.s32 v62, v0  }
0x2c: {  	[tilespmem:$0x4F30] =	vst v0  }
0x2d: {  	s21 =	sadd.s32 $0x40, s19;
	v0 =	vld [tilespmem:s19+$0x40]  }
0x2e: {  	v63 =	vld [tilespmem:s21+$0x2780];
	_ =	sdelay $0x3  }
0x2f: {  	v0 =	vshll.u32 v0, $0x7  }
0x30: {  	v0 =	vadd.s32 v63, v0  }
0x31: {  	[tilespmem:$0x4F40] =	vst v0  }
0x32: {  	[tilespmem:s11], [sflag:$0x1] =	stream.indirect.gather [hbm4b:s5+s13], $0x80, s14, s13, $0xb8;
	[tilespmem:$0x7780] =	vst v63  }
0x33: {  	_ =	swait.ge [sflag:s15], $0x2800  }
0x34: {  	[sflag:s15] =	ssyncset.done $0x0  }
0x35: {  	[sflag:s15] =	ssyncadd.s32 $0xFFFFD800  }
.LBB2_8:
0x36: {  	s18 =	sadd.s32 $0x1, s18  }
0x37: {  	s20 =	simm.s32 @!p0 $0xFFFFFFFF;
	p0 =	seq.s32 s18, $0x7D  }
.Ltmp3:
0x38: {  	_ = 	snop;
	(pc) =	sbr.rel @p0 .LBB2_9-.Ltmp3, $4  }
0x39: {  	s19 =	sadd.s32 s4, s19  }
0x3a: {  	s17 =	sadd.s32 $0x1, s17;
	s19 =	sshll.u32 s19, $0x4  }
0x3b: {  	s17 =	simm.s32 @!p1 $0x1;
	s21 =	smov.u32 s20;
	s19 =	sadd.s32 s2, s19  }
0x3c: {  	[hbm4b:s19+s3] =	stream.linear.scatter [tilespmem:s11], [sflag:$0x2], $0x2800, $0x38;
	[tilespmem:$0x7780] =	vst v63  }
.LBB2_2:
0x3d: {  	s19 =	smul.u32 $0x50, s18;
	_ =	sdelay $0x1  }
0x3e: {  	v0 =	vld [tilespmem:s19+$0x0]  }
0x3f: {  	v2 =	vld [tilespmem:s19+$0x40]  }
0x40: {  	v1 =	vld [tilespmem:s19+$0x2780]  }
0x41: {  	v3 =	vld [tilespmem:s19+$0x27C0];
	_ =	sdelay $0x1  }
0x42: {  	(v2sf) =	vpush v0, $0x0  }
0x43: {  	(v2sf) =	vpush v2, $0xF  }
0x44: {  	(v2sf) =	vpush v1, $0x0  }
0x45: {  	(v2sf) =	vpush v3, $0xF;
	_ =	sdelay $0xb  }
0x46: {  	s20 =	spop (v2sf)  }
0x47: {  	s22 =	spop (v2sf)  }
0x48: {  	s23 =	spop (v2sf)  }
0x49: {  	s24 =	spop (v2sf)  }
0x4a: {  	p0 =	seq.s32 s20, s22;
	s20 =	sshll.u32 s20, $0x7;
	p1 =	seq.s32 s23, s24  }
0x4b: {  	s20 =	sadd.s32 s20, s23;
	p0 =	por !p0, !p1  }
0x4c: {  	p6 =	seq.s32 s20, s21;
	p0 =	por !p0, !p0  }
0x4d: {  	p1 =	por !p6, !p0  }
0x4e: {  	p1 =	por !p1, !p1  }
.Ltmp4:
0x4f: {  	_ = 	snop;
	(pc) =	sbr.rel @p1 .LBB2_8-.Ltmp4, $1  }
0x50: {  	_ =	sdelay $0x3  }
0x51: {  	p2 =	slt.s32 s17, $0x1  }
.Ltmp5:
0x52: {  	_ = 	snop;
	(pc) =	sbr.rel @p2 .LBB2_7-.Ltmp5, $1  }
0x53: {  	_ =	sdelay $0x3  }
0x54: {  	p2 =	sne.s32 s17, $0x1  }
.Ltmp6:
0x55: {  	_ = 	snop;
	(pc) =	sbr.rel @!p2 .LBB2_6-.Ltmp6, $3  }
0x56: {  	_ =	sdelay $0x1  }
0x57: {  	_ =	swait.ge [sflag:s12], $0x2800  }
0x58: {  	s21 =	sadd.s32 $0xFFFFFFFF, s17;
	[sflag:s12] =	ssyncset.done $0x0  }
.LBB2_5:
0x59: {  	p2 =	sne.s32 s21, $0x1;
	s21 =	sadd.s32 $0xFFFFFFFF, s21;
	[sflag:s12] =	ssyncadd.s32 $0xFFFFD800  }
.Ltmp7:
0x5a: {  	(pc) =	sbr.rel @p2 .LBB2_5-.Ltmp7, $3  }
0x5b: {  	_ =	sdelay $0x1  }
0x5c: {  	_ =	swait.ge [sflag:s12], $0x2800  }
0x5d: {  	[sflag:s12] =	ssyncset.done $0x0  }
.Ltmp8:
0x5e: {  	_ = 	snop;
	(pc) =	sbr.rel .LBB2_6-.Ltmp8, $1  }
0x5f: {  	_ =	sdelay $0x3  }
.LBB2_9:
0x60: {  	p0 =	sgt.s32 s17, $0x0  }
.Ltmp9:
0x61: {  	_ = 	snop;
	(pc) =	sbr.rel @!p0 .LBB2_13-.Ltmp9, $1  }
0x62: {  	_ =	sdelay $0x3  }
0x63: {  	p0 =	sne.s32 s17, $0x1  }
.Ltmp10:
0x64: {  	_ = 	snop;
	(pc) =	sbr.rel @!p0 .LBB2_12-.Ltmp10, $3  }
0x65: {  	_ =	sdelay $0x1  }
0x66: {  	_ =	swait.ge [sflag:s12], $0x2800  }
0x67: {  	s17 =	sadd.s32 $0xFFFFFFFF, s17;
	[sflag:s12] =	ssyncset.done $0x0  }
.LBB2_11:
0x68: {  	p0 =	sne.s32 s17, $0x1;
	s17 =	sadd.s32 $0xFFFFFFFF, s17;
	[sflag:s12] =	ssyncadd.s32 $0xFFFFD800  }
.Ltmp11:
0x69: {  	(pc) =	sbr.rel @p0 .LBB2_11-.Ltmp11, $3  }
0x6a: {  	_ =	sdelay $0x1  }
0x6b: {  	_ =	swait.ge [sflag:s12], $0x2800  }
0x6c: {  	[sflag:s12] =	ssyncset.done $0x0  }
.Ltmp12:
0x6d: {  	_ = 	snop;
	(pc) =	sbr.rel .LBB2_12-.Ltmp12, $1  }
0x6e: {  	_ =	sdelay $0x3  }
.LBB2_14:
0x6f: {  	_ =	sfence.sel $0x180000  }
0x70: {  	[bflag:$0x0] =	sbarrier.arrive $0xFFFF  }
0x71: {  	p0 =	sne.s32 s0, $0x0;
	_ =	strace $0x90000047  }
0x72: {  	s0 =	sadd.s32 @!p0 $0x100000, s1;
	[bflag:$0x2] =	sbarrier.arrive $0xFFFF  }
0x73: {  	[sflag:s0] =	ssyncadd.tile.s32 @!p0 $0x1;
	_ =	shalt  }
.Lfunc_end2:
_tile_overlayer_lowered:
.L_overlay_start_2:
0x74: {  	(tag) =	ssettag $0x2  }
0x75: {  	s0 =	rddreg [dreg:$0x0];
	s2 =	stileid.u32  }
0x76: {  	s1 =	rddreg [dreg:$0x1];
	p0 =	sne.s32 s2, $0x0  }
0x77: {  	s3 =	rddreg [dreg:$0x2];
	[bflag:$0x3] =	sbarrier.arrive $0xFFFF;
	s2 =	simm.s32 @!p0 $0x1C03  }
0x78: {  	[timem:s3], [sflag:s2] =	dma.local @!p0 [hbm:s0], s1  }
0x79: {  	s0 =	simm.s32 @!p0 $0x3  }
0x7a: {  	_ =	swait.ge @!p0 [sflag:s0], s1  }
0x7b: {  	s1 =	ssub.s32 @!p0 $0x0, s1;
	[sflag:s0] =	ssyncset.done @!p0 $0x0  }
0x7c: {  	[sflag:s0] =	ssyncadd.s32 @!p0 s1  }
0x7d: {  	[bflag:$0x3] =	sbarrier.arrive $0xFFFF  }
0x7e: {  	_ =	shalt  }

</sc_bundles>
